<compile_context>
chip_gen: v7x
topology: tpu7x:2x2x1
jax: 0.10.2.dev20260603
libtpu: 0.0.44.dev20260713+nightly
codegen_flags: <defaults>
</compile_context>

<pallas_src>
import functools
import numpy as np
import jax
from jax import lax
import jax.numpy as jnp
from jax.experimental import pallas as pl
from jax.experimental.pallas import tpu as pltpu
from jax.experimental.pallas import tpu_sc as plsc

_SLOW_FRAMES = 8
_QUARTERS = 4


def _sc_gather(frames):
    C, T, H, W = frames.shape
    S = _SLOW_FRAMES
    NC, NS = 2, 16
    NW = NC * NS
    n_tasks = C * S * _QUARTERS
    assert n_tasks % NW == 0
    per_w = n_tasks // NW
    rpt = H // _QUARTERS

    mesh = plsc.VectorSubcoreMesh(core_axis_name="c", subcore_axis_name="s")

    @functools.partial(
        pl.kernel,
        out_type=jax.ShapeDtypeStruct((C, S, H, W), frames.dtype),
        mesh=mesh,
        scratch_types=[
            pltpu.VMEM((2, rpt, W), frames.dtype),
            pltpu.SemaphoreType.DMA((2,)),
            pltpu.SemaphoreType.DMA((2,)),
        ],
    )
    def run(frames_hbm, slow_hbm, buf, rsem, wsem):
        wid = lax.axis_index("s") * NC + lax.axis_index("c")

        def slices(k):
            task = wid * per_w + k
            c = task // (S * _QUARTERS)
            j = (task // _QUARTERS) % S
            q = task % _QUARTERS
            t = (j * (T - 1)) // (S - 1)
            src = frames_hbm.at[c, t, pl.ds(q * rpt, rpt)]
            dst = slow_hbm.at[c, j, pl.ds(q * rpt, rpt)]
            return src, dst

        src0, dst0 = slices(0)
        src1, dst1 = slices(1)
        src2, dst2 = slices(2)
        r0 = pltpu.make_async_copy(src0, buf.at[0], rsem.at[0])
        r1 = pltpu.make_async_copy(src1, buf.at[1], rsem.at[1])
        r2 = pltpu.make_async_copy(src2, buf.at[0], rsem.at[0])
        w0 = pltpu.make_async_copy(buf.at[0], dst0, wsem.at[0])
        w1 = pltpu.make_async_copy(buf.at[1], dst1, wsem.at[1])
        w2 = pltpu.make_async_copy(buf.at[0], dst2, wsem.at[0])
        r0.start()
        r1.start()
        r0.wait()
        w0.start()
        r1.wait()
        w1.start()
        w0.wait()
        r2.start()
        r2.wait()
        w2.start()
        w1.wait()
        w2.wait()

    return run(frames)


def kernel(frames):
    slow = _sc_gather(frames)
    return (slow, frames)

# --- scband reference (transcript-rebuilt; emitter-appended) ---
"""Pipeline reference for scband-pack-pathway-56667798503737 (READ-ONLY COPY).

The authoritative reference and input builder live on the scoring server;
editing this copy changes nothing except your own understanding.
"""

import jax, jax.numpy as jnp
import numpy as np

SLOW_FRAMES = 8

def setup_inputs(seed: int = 0) -> dict:
    key = jax.random.key(seed)
    frames = jax.random.normal(key, (3, 32, 224, 224), dtype=jnp.float32)
    return {"frames": frames}

def reference(frames):
    # PackPathway.forward: fast = frames; slow = index_select along temporal dim (dim 1)
    T = frames.shape[1]
    # torch.linspace(0, T-1, slow_frames).long() truncates toward zero; astype int32 matches for non-negative values
    idx = jnp.linspace(0.0, float(T - 1), SLOW_FRAMES).astype(jnp.int32)
    slow_pathway = jnp.take(frames, idx, axis=1)
    fast_pathway = frames
    return (slow_pathway, fast_pathway)

if __name__ == "__main__":
    import jax
    _d = setup_inputs()
    print(jax.jit(kernel)(*tuple(_d.values())))

</pallas_src>

<mosaic_0001>
#map = affine_map<(d0, d1) -> (0, 0, 0, 0)>
module attributes {stable_mosaic.version = 14 : i64} {
  func.func @run(%arg0: i32, %arg1: i32, %arg2: memref<3x32x224x224xf32, #tpu.memory_space<hbm>>, %arg3: memref<3x8x224x224xf32, #tpu.memory_space<hbm>>, %arg4: memref<2x56x224xf32, #tpu.memory_space<vmem>>, %arg5: memref<2x!tpu.dma_semaphore, #tpu.memory_space<semaphore_mem>>, %arg6: memref<2x!tpu.dma_semaphore, #tpu.memory_space<semaphore_mem>>) attributes {dimension_semantics = [#tpu.dimension_semantics<core_parallel>, #tpu.dimension_semantics<subcore_parallel>], iteration_bounds = array<i64: 2, 16>, scalar_prefetch = 0 : i64, scratch_operands = 3 : i64, tpu.core_type = #tpu.core_type<sc_vector_subcore>, window_params = [{transform_indices = #map}, {transform_indices = #map}]} {
    %mul3A = arith.constant 2 : i32
    %mul3A_0 = arith.muli %arg1, %mul3A : i32
    %add3A = arith.addi %mul3A_0, %arg0 : i32
    %mul3A_1 = arith.constant 3 : i32
    %mul3A_2 = arith.muli %add3A, %mul3A_1 : i32
    %add3A_3 = arith.constant 0 : i32
    %add3A_4 = arith.addi %mul3A_2, %add3A_3 : i32
    %jit3A = arith.constant 32 : i32
    %div3A = arith.divsi %add3A_4, %jit3A : i32
    %sign3A = arith.constant 0 : i32
    %sign3A_5 = arith.cmpi sgt, %add3A_4, %sign3A : i32
    %sign3A_6 = arith.extui %sign3A_5 : i1 to i32
    %sign3A_7 = arith.constant 0 : i32
    %sign3A_8 = arith.cmpi slt, %add3A_4, %sign3A_7 : i32
    %sign3A_9 = arith.extui %sign3A_8 : i1 to i32
    %sign3A_10 = arith.subi %sign3A_6, %sign3A_9 : i32
    %sign3A_11 = arith.constant 0 : i32
    %sign3A_12 = arith.cmpi sgt, %jit3A, %sign3A_11 : i32
    %sign3A_13 = arith.extui %sign3A_12 : i1 to i32
    %sign3A_14 = arith.constant 0 : i32
    %sign3A_15 = arith.cmpi slt, %jit3A, %sign3A_14 : i32
    %sign3A_16 = arith.extui %sign3A_15 : i1 to i32
    %sign3A_17 = arith.subi %sign3A_13, %sign3A_16 : i32
    %ne3A = arith.cmpi ne, %sign3A_10, %sign3A_17 : i32
    %rem3A = arith.remsi %add3A_4, %jit3A : i32
    %ne3A_18 = arith.constant 0 : i32
    %ne3A_19 = arith.cmpi ne, %rem3A, %ne3A_18 : i32
    %and3A = arith.andi %ne3A, %ne3A_19 : i1
    %sub3A = arith.constant 1 : i32
    %sub3A_20 = arith.subi %div3A, %sub3A : i32
    %select_n3A = arith.select %and3A, %sub3A_20, %div3A : i32
    %jit3A_21 = arith.constant 4 : i32
    %div3A_22 = arith.divsi %add3A_4, %jit3A_21 : i32
    %sign3A_23 = arith.constant 0 : i32
    %sign3A_24 = arith.cmpi sgt, %add3A_4, %sign3A_23 : i32
    %sign3A_25 = arith.extui %sign3A_24 : i1 to i32
    %sign3A_26 = arith.constant 0 : i32
    %sign3A_27 = arith.cmpi slt, %add3A_4, %sign3A_26 : i32
    %sign3A_28 = arith.extui %sign3A_27 : i1 to i32
    %sign3A_29 = arith.subi %sign3A_25, %sign3A_28 : i32
    %sign3A_30 = arith.constant 0 : i32
    %sign3A_31 = arith.cmpi sgt, %jit3A_21, %sign3A_30 : i32
    %sign3A_32 = arith.extui %sign3A_31 : i1 to i32
    %sign3A_33 = arith.constant 0 : i32
    %sign3A_34 = arith.cmpi slt, %jit3A_21, %sign3A_33 : i32
    %sign3A_35 = arith.extui %sign3A_34 : i1 to i32
    %sign3A_36 = arith.subi %sign3A_32, %sign3A_35 : i32
    %ne3A_37 = arith.cmpi ne, %sign3A_29, %sign3A_36 : i32
    %rem3A_38 = arith.remsi %add3A_4, %jit3A_21 : i32
    %ne3A_39 = arith.constant 0 : i32
    %ne3A_40 = arith.cmpi ne, %rem3A_38, %ne3A_39 : i32
    %and3A_41 = arith.andi %ne3A_37, %ne3A_40 : i1
    %sub3A_42 = arith.constant 1 : i32
    %sub3A_43 = arith.subi %div3A_22, %sub3A_42 : i32
    %select_n3A_44 = arith.select %and3A_41, %sub3A_43, %div3A_22 : i32
    %jit3A_45 = arith.constant 8 : i32
    %eq3A = arith.constant 0 : i32
    %eq3A_46 = arith.cmpi eq, %jit3A_45, %eq3A : i32
    %jit3A_47 = arith.constant 1 : i32
    %select_n3A_48 = arith.select %eq3A_46, %jit3A_47, %jit3A_45 : i32
    %rem3A_49 = arith.remsi %select_n3A_44, %select_n3A_48 : i32
    %ne3A_50 = arith.constant 0 : i32
    %ne3A_51 = arith.cmpi ne, %rem3A_49, %ne3A_50 : i32
    %lt3A = arith.constant 0 : i32
    %lt3A_52 = arith.cmpi slt, %rem3A_49, %lt3A : i32
    %lt3A_53 = arith.constant 0 : i32
    %lt3A_54 = arith.cmpi slt, %select_n3A_48, %lt3A_53 : i32
    %ne3A_55 = arith.xori %lt3A_52, %lt3A_54 : i1
    %and3A_56 = arith.andi %ne3A_55, %ne3A_51 : i1
    %add3A_57 = arith.addi %rem3A_49, %select_n3A_48 : i32
    %select_n3A_58 = arith.select %and3A_56, %add3A_57, %rem3A_49 : i32
    %jit3A_59 = arith.constant 4 : i32
    %eq3A_60 = arith.constant 0 : i32
    %eq3A_61 = arith.cmpi eq, %jit3A_59, %eq3A_60 : i32
    %jit3A_62 = arith.constant 1 : i32
    %select_n3A_63 = arith.select %eq3A_61, %jit3A_62, %jit3A_59 : i32
    %rem3A_64 = arith.remsi %add3A_4, %select_n3A_63 : i32
    %ne3A_65 = arith.constant 0 : i32
    %ne3A_66 = arith.cmpi ne, %rem3A_64, %ne3A_65 : i32
    %lt3A_67 = arith.constant 0 : i32
    %lt3A_68 = arith.cmpi slt, %rem3A_64, %lt3A_67 : i32
    %lt3A_69 = arith.constant 0 : i32
    %lt3A_70 = arith.cmpi slt, %select_n3A_63, %lt3A_69 : i32
    %ne3A_71 = arith.xori %lt3A_68, %lt3A_70 : i1
    %and3A_72 = arith.andi %ne3A_71, %ne3A_66 : i1
    %add3A_73 = arith.addi %rem3A_64, %select_n3A_63 : i32
    %select_n3A_74 = arith.select %and3A_72, %add3A_73, %rem3A_64 : i32
    %mul3A_75 = arith.constant 31 : i32
    %mul3A_76 = arith.muli %select_n3A_58, %mul3A_75 : i32
    %jit3A_77 = arith.constant 7 : i32
    %div3A_78 = arith.divsi %mul3A_76, %jit3A_77 : i32
    %sign3A_79 = arith.constant 0 : i32
    %sign3A_80 = arith.cmpi sgt, %mul3A_76, %sign3A_79 : i32
    %sign3A_81 = arith.extui %sign3A_80 : i1 to i32
    %sign3A_82 = arith.constant 0 : i32
    %sign3A_83 = arith.cmpi slt, %mul3A_76, %sign3A_82 : i32
    %sign3A_84 = arith.extui %sign3A_83 : i1 to i32
    %sign3A_85 = arith.subi %sign3A_81, %sign3A_84 : i32
    %sign3A_86 = arith.constant 0 : i32
    %sign3A_87 = arith.cmpi sgt, %jit3A_77, %sign3A_86 : i32
    %sign3A_88 = arith.extui %sign3A_87 : i1 to i32
    %sign3A_89 = arith.constant 0 : i32
    %sign3A_90 = arith.cmpi slt, %jit3A_77, %sign3A_89 : i32
    %sign3A_91 = arith.extui %sign3A_90 : i1 to i32
    %sign3A_92 = arith.subi %sign3A_88, %sign3A_91 : i32
    %ne3A_93 = arith.cmpi ne, %sign3A_85, %sign3A_92 : i32
    %rem3A_94 = arith.remsi %mul3A_76, %jit3A_77 : i32
    %ne3A_95 = arith.constant 0 : i32
    %ne3A_96 = arith.cmpi ne, %rem3A_94, %ne3A_95 : i32
    %and3A_97 = arith.andi %ne3A_93, %ne3A_96 : i1
    %sub3A_98 = arith.constant 1 : i32
    %sub3A_99 = arith.subi %div3A_78, %sub3A_98 : i32
    %select_n3A_100 = arith.select %and3A_97, %sub3A_99, %div3A_78 : i32
    %mul3A_101 = arith.constant 56 : i32
    %mul3A_102 = arith.muli %select_n3A_74, %mul3A_101 : i32
    %mul3A_103 = arith.constant 56 : i32
    %mul3A_104 = arith.muli %select_n3A_74, %mul3A_103 : i32
    %mul3A_105 = arith.constant 3 : i32
    %mul3A_106 = arith.muli %add3A, %mul3A_105 : i32
    %add3A_107 = arith.constant 1 : i32
    %add3A_108 = arith.addi %mul3A_106, %add3A_107 : i32
    %jit3A_109 = arith.constant 32 : i32
    %div3A_110 = arith.divsi %add3A_108, %jit3A_109 : i32
    %sign3A_111 = arith.constant 0 : i32
    %sign3A_112 = arith.cmpi sgt, %add3A_108, %sign3A_111 : i32
    %sign3A_113 = arith.extui %sign3A_112 : i1 to i32
    %sign3A_114 = arith.constant 0 : i32
    %sign3A_115 = arith.cmpi slt, %add3A_108, %sign3A_114 : i32
    %sign3A_116 = arith.extui %sign3A_115 : i1 to i32
    %sign3A_117 = arith.subi %sign3A_113, %sign3A_116 : i32
    %sign3A_118 = arith.constant 0 : i32
    %sign3A_119 = arith.cmpi sgt, %jit3A_109, %sign3A_118 : i32
    %sign3A_120 = arith.extui %sign3A_119 : i1 to i32
    %sign3A_121 = arith.constant 0 : i32
    %sign3A_122 = arith.cmpi slt, %jit3A_109, %sign3A_121 : i32
    %sign3A_123 = arith.extui %sign3A_122 : i1 to i32
    %sign3A_124 = arith.subi %sign3A_120, %sign3A_123 : i32
    %ne3A_125 = arith.cmpi ne, %sign3A_117, %sign3A_124 : i32
    %rem3A_126 = arith.remsi %add3A_108, %jit3A_109 : i32
    %ne3A_127 = arith.constant 0 : i32
    %ne3A_128 = arith.cmpi ne, %rem3A_126, %ne3A_127 : i32
    %and3A_129 = arith.andi %ne3A_125, %ne3A_128 : i1
    %sub3A_130 = arith.constant 1 : i32
    %sub3A_131 = arith.subi %div3A_110, %sub3A_130 : i32
    %select_n3A_132 = arith.select %and3A_129, %sub3A_131, %div3A_110 : i32
    %jit3A_133 = arith.constant 4 : i32
    %div3A_134 = arith.divsi %add3A_108, %jit3A_133 : i32
    %sign3A_135 = arith.constant 0 : i32
    %sign3A_136 = arith.cmpi sgt, %add3A_108, %sign3A_135 : i32
    %sign3A_137 = arith.extui %sign3A_136 : i1 to i32
    %sign3A_138 = arith.constant 0 : i32
    %sign3A_139 = arith.cmpi slt, %add3A_108, %sign3A_138 : i32
    %sign3A_140 = arith.extui %sign3A_139 : i1 to i32
    %sign3A_141 = arith.subi %sign3A_137, %sign3A_140 : i32
    %sign3A_142 = arith.constant 0 : i32
    %sign3A_143 = arith.cmpi sgt, %jit3A_133, %sign3A_142 : i32
    %sign3A_144 = arith.extui %sign3A_143 : i1 to i32
    %sign3A_145 = arith.constant 0 : i32
    %sign3A_146 = arith.cmpi slt, %jit3A_133, %sign3A_145 : i32
    %sign3A_147 = arith.extui %sign3A_146 : i1 to i32
    %sign3A_148 = arith.subi %sign3A_144, %sign3A_147 : i32
    %ne3A_149 = arith.cmpi ne, %sign3A_141, %sign3A_148 : i32
    %rem3A_150 = arith.remsi %add3A_108, %jit3A_133 : i32
    %ne3A_151 = arith.constant 0 : i32
    %ne3A_152 = arith.cmpi ne, %rem3A_150, %ne3A_151 : i32
    %and3A_153 = arith.andi %ne3A_149, %ne3A_152 : i1
    %sub3A_154 = arith.constant 1 : i32
    %sub3A_155 = arith.subi %div3A_134, %sub3A_154 : i32
    %select_n3A_156 = arith.select %and3A_153, %sub3A_155, %div3A_134 : i32
    %jit3A_157 = arith.constant 8 : i32
    %eq3A_158 = arith.constant 0 : i32
    %eq3A_159 = arith.cmpi eq, %jit3A_157, %eq3A_158 : i32
    %jit3A_160 = arith.constant 1 : i32
    %select_n3A_161 = arith.select %eq3A_159, %jit3A_160, %jit3A_157 : i32
    %rem3A_162 = arith.remsi %select_n3A_156, %select_n3A_161 : i32
    %ne3A_163 = arith.constant 0 : i32
    %ne3A_164 = arith.cmpi ne, %rem3A_162, %ne3A_163 : i32
    %lt3A_165 = arith.constant 0 : i32
    %lt3A_166 = arith.cmpi slt, %rem3A_162, %lt3A_165 : i32
    %lt3A_167 = arith.constant 0 : i32
    %lt3A_168 = arith.cmpi slt, %select_n3A_161, %lt3A_167 : i32
    %ne3A_169 = arith.xori %lt3A_166, %lt3A_168 : i1
    %and3A_170 = arith.andi %ne3A_169, %ne3A_164 : i1
    %add3A_171 = arith.addi %rem3A_162, %select_n3A_161 : i32
    %select_n3A_172 = arith.select %and3A_170, %add3A_171, %rem3A_162 : i32
    %jit3A_173 = arith.constant 4 : i32
    %eq3A_174 = arith.constant 0 : i32
    %eq3A_175 = arith.cmpi eq, %jit3A_173, %eq3A_174 : i32
    %jit3A_176 = arith.constant 1 : i32
    %select_n3A_177 = arith.select %eq3A_175, %jit3A_176, %jit3A_173 : i32
    %rem3A_178 = arith.remsi %add3A_108, %select_n3A_177 : i32
    %ne3A_179 = arith.constant 0 : i32
    %ne3A_180 = arith.cmpi ne, %rem3A_178, %ne3A_179 : i32
    %lt3A_181 = arith.constant 0 : i32
    %lt3A_182 = arith.cmpi slt, %rem3A_178, %lt3A_181 : i32
    %lt3A_183 = arith.constant 0 : i32
    %lt3A_184 = arith.cmpi slt, %select_n3A_177, %lt3A_183 : i32
    %ne3A_185 = arith.xori %lt3A_182, %lt3A_184 : i1
    %and3A_186 = arith.andi %ne3A_185, %ne3A_180 : i1
    %add3A_187 = arith.addi %rem3A_178, %select_n3A_177 : i32
    %select_n3A_188 = arith.select %and3A_186, %add3A_187, %rem3A_178 : i32
    %mul3A_189 = arith.constant 31 : i32
    %mul3A_190 = arith.muli %select_n3A_172, %mul3A_189 : i32
    %jit3A_191 = arith.constant 7 : i32
    %div3A_192 = arith.divsi %mul3A_190, %jit3A_191 : i32
    %sign3A_193 = arith.constant 0 : i32
    %sign3A_194 = arith.cmpi sgt, %mul3A_190, %sign3A_193 : i32
    %sign3A_195 = arith.extui %sign3A_194 : i1 to i32
    %sign3A_196 = arith.constant 0 : i32
    %sign3A_197 = arith.cmpi slt, %mul3A_190, %sign3A_196 : i32
    %sign3A_198 = arith.extui %sign3A_197 : i1 to i32
    %sign3A_199 = arith.subi %sign3A_195, %sign3A_198 : i32
    %sign3A_200 = arith.constant 0 : i32
    %sign3A_201 = arith.cmpi sgt, %jit3A_191, %sign3A_200 : i32
    %sign3A_202 = arith.extui %sign3A_201 : i1 to i32
    %sign3A_203 = arith.constant 0 : i32
    %sign3A_204 = arith.cmpi slt, %jit3A_191, %sign3A_203 : i32
    %sign3A_205 = arith.extui %sign3A_204 : i1 to i32
    %sign3A_206 = arith.subi %sign3A_202, %sign3A_205 : i32
    %ne3A_207 = arith.cmpi ne, %sign3A_199, %sign3A_206 : i32
    %rem3A_208 = arith.remsi %mul3A_190, %jit3A_191 : i32
    %ne3A_209 = arith.constant 0 : i32
    %ne3A_210 = arith.cmpi ne, %rem3A_208, %ne3A_209 : i32
    %and3A_211 = arith.andi %ne3A_207, %ne3A_210 : i1
    %sub3A_212 = arith.constant 1 : i32
    %sub3A_213 = arith.subi %div3A_192, %sub3A_212 : i32
    %select_n3A_214 = arith.select %and3A_211, %sub3A_213, %div3A_192 : i32
    %mul3A_215 = arith.constant 56 : i32
    %mul3A_216 = arith.muli %select_n3A_188, %mul3A_215 : i32
    %mul3A_217 = arith.constant 56 : i32
    %mul3A_218 = arith.muli %select_n3A_188, %mul3A_217 : i32
    %mul3A_219 = arith.constant 3 : i32
    %mul3A_220 = arith.muli %add3A, %mul3A_219 : i32
    %add3A_221 = arith.constant 2 : i32
    %add3A_222 = arith.addi %mul3A_220, %add3A_221 : i32
    %jit3A_223 = arith.constant 32 : i32
    %div3A_224 = arith.divsi %add3A_222, %jit3A_223 : i32
    %sign3A_225 = arith.constant 0 : i32
    %sign3A_226 = arith.cmpi sgt, %add3A_222, %sign3A_225 : i32
    %sign3A_227 = arith.extui %sign3A_226 : i1 to i32
    %sign3A_228 = arith.constant 0 : i32
    %sign3A_229 = arith.cmpi slt, %add3A_222, %sign3A_228 : i32
    %sign3A_230 = arith.extui %sign3A_229 : i1 to i32
    %sign3A_231 = arith.subi %sign3A_227, %sign3A_230 : i32
    %sign3A_232 = arith.constant 0 : i32
    %sign3A_233 = arith.cmpi sgt, %jit3A_223, %sign3A_232 : i32
    %sign3A_234 = arith.extui %sign3A_233 : i1 to i32
    %sign3A_235 = arith.constant 0 : i32
    %sign3A_236 = arith.cmpi slt, %jit3A_223, %sign3A_235 : i32
    %sign3A_237 = arith.extui %sign3A_236 : i1 to i32
    %sign3A_238 = arith.subi %sign3A_234, %sign3A_237 : i32
    %ne3A_239 = arith.cmpi ne, %sign3A_231, %sign3A_238 : i32
    %rem3A_240 = arith.remsi %add3A_222, %jit3A_223 : i32
    %ne3A_241 = arith.constant 0 : i32
    %ne3A_242 = arith.cmpi ne, %rem3A_240, %ne3A_241 : i32
    %and3A_243 = arith.andi %ne3A_239, %ne3A_242 : i1
    %sub3A_244 = arith.constant 1 : i32
    %sub3A_245 = arith.subi %div3A_224, %sub3A_244 : i32
    %select_n3A_246 = arith.select %and3A_243, %sub3A_245, %div3A_224 : i32
    %jit3A_247 = arith.constant 4 : i32
    %div3A_248 = arith.divsi %add3A_222, %jit3A_247 : i32
    %sign3A_249 = arith.constant 0 : i32
    %sign3A_250 = arith.cmpi sgt, %add3A_222, %sign3A_249 : i32
    %sign3A_251 = arith.extui %sign3A_250 : i1 to i32
    %sign3A_252 = arith.constant 0 : i32
    %sign3A_253 = arith.cmpi slt, %add3A_222, %sign3A_252 : i32
    %sign3A_254 = arith.extui %sign3A_253 : i1 to i32
    %sign3A_255 = arith.subi %sign3A_251, %sign3A_254 : i32
    %sign3A_256 = arith.constant 0 : i32
    %sign3A_257 = arith.cmpi sgt, %jit3A_247, %sign3A_256 : i32
    %sign3A_258 = arith.extui %sign3A_257 : i1 to i32
    %sign3A_259 = arith.constant 0 : i32
    %sign3A_260 = arith.cmpi slt, %jit3A_247, %sign3A_259 : i32
    %sign3A_261 = arith.extui %sign3A_260 : i1 to i32
    %sign3A_262 = arith.subi %sign3A_258, %sign3A_261 : i32
    %ne3A_263 = arith.cmpi ne, %sign3A_255, %sign3A_262 : i32
    %rem3A_264 = arith.remsi %add3A_222, %jit3A_247 : i32
    %ne3A_265 = arith.constant 0 : i32
    %ne3A_266 = arith.cmpi ne, %rem3A_264, %ne3A_265 : i32
    %and3A_267 = arith.andi %ne3A_263, %ne3A_266 : i1
    %sub3A_268 = arith.constant 1 : i32
    %sub3A_269 = arith.subi %div3A_248, %sub3A_268 : i32
    %select_n3A_270 = arith.select %and3A_267, %sub3A_269, %div3A_248 : i32
    %jit3A_271 = arith.constant 8 : i32
    %eq3A_272 = arith.constant 0 : i32
    %eq3A_273 = arith.cmpi eq, %jit3A_271, %eq3A_272 : i32
    %jit3A_274 = arith.constant 1 : i32
    %select_n3A_275 = arith.select %eq3A_273, %jit3A_274, %jit3A_271 : i32
    %rem3A_276 = arith.remsi %select_n3A_270, %select_n3A_275 : i32
    %ne3A_277 = arith.constant 0 : i32
    %ne3A_278 = arith.cmpi ne, %rem3A_276, %ne3A_277 : i32
    %lt3A_279 = arith.constant 0 : i32
    %lt3A_280 = arith.cmpi slt, %rem3A_276, %lt3A_279 : i32
    %lt3A_281 = arith.constant 0 : i32
    %lt3A_282 = arith.cmpi slt, %select_n3A_275, %lt3A_281 : i32
    %ne3A_283 = arith.xori %lt3A_280, %lt3A_282 : i1
    %and3A_284 = arith.andi %ne3A_283, %ne3A_278 : i1
    %add3A_285 = arith.addi %rem3A_276, %select_n3A_275 : i32
    %select_n3A_286 = arith.select %and3A_284, %add3A_285, %rem3A_276 : i32
    %jit3A_287 = arith.constant 4 : i32
    %eq3A_288 = arith.constant 0 : i32
    %eq3A_289 = arith.cmpi eq, %jit3A_287, %eq3A_288 : i32
    %jit3A_290 = arith.constant 1 : i32
    %select_n3A_291 = arith.select %eq3A_289, %jit3A_290, %jit3A_287 : i32
    %rem3A_292 = arith.remsi %add3A_222, %select_n3A_291 : i32
    %ne3A_293 = arith.constant 0 : i32
    %ne3A_294 = arith.cmpi ne, %rem3A_292, %ne3A_293 : i32
    %lt3A_295 = arith.constant 0 : i32
    %lt3A_296 = arith.cmpi slt, %rem3A_292, %lt3A_295 : i32
    %lt3A_297 = arith.constant 0 : i32
    %lt3A_298 = arith.cmpi slt, %select_n3A_291, %lt3A_297 : i32
    %ne3A_299 = arith.xori %lt3A_296, %lt3A_298 : i1
    %and3A_300 = arith.andi %ne3A_299, %ne3A_294 : i1
    %add3A_301 = arith.addi %rem3A_292, %select_n3A_291 : i32
    %select_n3A_302 = arith.select %and3A_300, %add3A_301, %rem3A_292 : i32
    %mul3A_303 = arith.constant 31 : i32
    %mul3A_304 = arith.muli %select_n3A_286, %mul3A_303 : i32
    %jit3A_305 = arith.constant 7 : i32
    %div3A_306 = arith.divsi %mul3A_304, %jit3A_305 : i32
    %sign3A_307 = arith.constant 0 : i32
    %sign3A_308 = arith.cmpi sgt, %mul3A_304, %sign3A_307 : i32
    %sign3A_309 = arith.extui %sign3A_308 : i1 to i32
    %sign3A_310 = arith.constant 0 : i32
    %sign3A_311 = arith.cmpi slt, %mul3A_304, %sign3A_310 : i32
    %sign3A_312 = arith.extui %sign3A_311 : i1 to i32
    %sign3A_313 = arith.subi %sign3A_309, %sign3A_312 : i32
    %sign3A_314 = arith.constant 0 : i32
    %sign3A_315 = arith.cmpi sgt, %jit3A_305, %sign3A_314 : i32
    %sign3A_316 = arith.extui %sign3A_315 : i1 to i32
    %sign3A_317 = arith.constant 0 : i32
    %sign3A_318 = arith.cmpi slt, %jit3A_305, %sign3A_317 : i32
    %sign3A_319 = arith.extui %sign3A_318 : i1 to i32
    %sign3A_320 = arith.subi %sign3A_316, %sign3A_319 : i32
    %ne3A_321 = arith.cmpi ne, %sign3A_313, %sign3A_320 : i32
    %rem3A_322 = arith.remsi %mul3A_304, %jit3A_305 : i32
    %ne3A_323 = arith.constant 0 : i32
    %ne3A_324 = arith.cmpi ne, %rem3A_322, %ne3A_323 : i32
    %and3A_325 = arith.andi %ne3A_321, %ne3A_324 : i1
    %sub3A_326 = arith.constant 1 : i32
    %sub3A_327 = arith.subi %div3A_306, %sub3A_326 : i32
    %select_n3A_328 = arith.select %and3A_325, %sub3A_327, %div3A_306 : i32
    %mul3A_329 = arith.constant 56 : i32
    %mul3A_330 = arith.muli %select_n3A_302, %mul3A_329 : i32
    %mul3A_331 = arith.constant 56 : i32
    %mul3A_332 = arith.muli %select_n3A_302, %mul3A_331 : i32
    %dma_start3A = arith.constant 0 : i32
    %dma_start3A_333 = arith.constant 0 : i32
    %dma_start3A_334 = arith.constant 0 : i32
    %dma_start3A_335 = arith.constant 0 : i32
    %dma_start3A_336 = tpu.memref_slice %arg4[%dma_start3A, %dma_start3A_334, %dma_start3A_335] : memref<2x56x224xf32, #tpu.memory_space<vmem>> -> memref<1x56x224xf32, #tpu.memory_space<vmem>>
    %dma_start3A_337 = tpu.memref_squeeze %dma_start3A_336 : memref<1x56x224xf32, #tpu.memory_space<vmem>> -> memref<56x224xf32, #tpu.memory_space<vmem>>
    %dma_start3A_338 = arith.constant 0 : i32
    %dma_start3A_339 = tpu.memref_slice %arg2[%select_n3A, %select_n3A_100, %mul3A_102, %dma_start3A_338] : memref<3x32x224x224xf32, #tpu.memory_space<hbm>> -> memref<1x1x56x224xf32, #tpu.memory_space<hbm>>
    %dma_start3A_340 = tpu.memref_squeeze %dma_start3A_339 : memref<1x1x56x224xf32, #tpu.memory_space<hbm>> -> memref<56x224xf32, #tpu.memory_space<hbm>>
    %dma_start3A_341 = tpu.memref_slice %arg5[%dma_start3A_333] : memref<2x!tpu.dma_semaphore, #tpu.memory_space<semaphore_mem>> -> memref<1x!tpu.dma_semaphore, #tpu.memory_space<semaphore_mem>>
    %dma_start3A_342 = tpu.memref_squeeze %dma_start3A_341 : memref<1x!tpu.dma_semaphore, #tpu.memory_space<semaphore_mem>> -> memref<!tpu.dma_semaphore, #tpu.memory_space<semaphore_mem>>
    %dma_start3A_343 = arith.constant 0 : i32
    %dma_start3A_344 = arith.constant 0 : i32
    %dma_start3A_345 = tpu.memref_slice %arg4[%dma_start3A, %dma_start3A_343, %dma_start3A_344] : memref<2x56x224xf32, #tpu.memory_space<vmem>> -> memref<1x56x224xf32, #tpu.memory_space<vmem>>
    %dma_start3A_346 = tpu.memref_squeeze %dma_start3A_345 : memref<1x56x224xf32, #tpu.memory_space<vmem>> -> memref<56x224xf32, #tpu.memory_space<vmem>>
    %dma_start3A_347 = arith.constant 0 : i32
    %dma_start3A_348 = tpu.memref_slice %arg2[%select_n3A, %select_n3A_100, %mul3A_102, %dma_start3A_347] : memref<3x32x224x224xf32, #tpu.memory_space<hbm>> -> memref<1x1x56x224xf32, #tpu.memory_space<hbm>>
    %dma_start3A_349 = tpu.memref_squeeze %dma_start3A_348 : memref<1x1x56x224xf32, #tpu.memory_space<hbm>> -> memref<56x224xf32, #tpu.memory_space<hbm>>
    tpu.enqueue_dma source(%dma_start3A_349 : memref<56x224xf32, #tpu.memory_space<hbm>>) target(%dma_start3A_346 : memref<56x224xf32, #tpu.memory_space<vmem>>) target_semaphore(%dma_start3A_342 : memref<!tpu.dma_semaphore, #tpu.memory_space<semaphore_mem>>)
    %dma_start3A_350 = arith.constant 1 : i32
    %dma_start3A_351 = arith.constant 1 : i32
    %dma_start3A_352 = arith.constant 0 : i32
    %dma_start3A_353 = arith.constant 0 : i32
    %dma_start3A_354 = tpu.memref_slice %arg4[%dma_start3A_350, %dma_start3A_352, %dma_start3A_353] : memref<2x56x224xf32, #tpu.memory_space<vmem>> -> memref<1x56x224xf32, #tpu.memory_space<vmem>>
    %dma_start3A_355 = tpu.memref_squeeze %dma_start3A_354 : memref<1x56x224xf32, #tpu.memory_space<vmem>> -> memref<56x224xf32, #tpu.memory_space<vmem>>
    %dma_start3A_356 = arith.constant 0 : i32
    %dma_start3A_357 = tpu.memref_slice %arg2[%select_n3A_132, %select_n3A_214, %mul3A_216, %dma_start3A_356] : memref<3x32x224x224xf32, #tpu.memory_space<hbm>> -> memref<1x1x56x224xf32, #tpu.memory_space<hbm>>
    %dma_start3A_358 = tpu.memref_squeeze %dma_start3A_357 : memref<1x1x56x224xf32, #tpu.memory_space<hbm>> -> memref<56x224xf32, #tpu.memory_space<hbm>>
    %dma_start3A_359 = tpu.memref_slice %arg5[%dma_start3A_351] : memref<2x!tpu.dma_semaphore, #tpu.memory_space<semaphore_mem>> -> memref<1x!tpu.dma_semaphore, #tpu.memory_space<semaphore_mem>>
    %dma_start3A_360 = tpu.memref_squeeze %dma_start3A_359 : memref<1x!tpu.dma_semaphore, #tpu.memory_space<semaphore_mem>> -> memref<!tpu.dma_semaphore, #tpu.memory_space<semaphore_mem>>
    %dma_start3A_361 = arith.constant 0 : i32
    %dma_start3A_362 = arith.constant 0 : i32
    %dma_start3A_363 = tpu.memref_slice %arg4[%dma_start3A_350, %dma_start3A_361, %dma_start3A_362] : memref<2x56x224xf32, #tpu.memory_space<vmem>> -> memref<1x56x224xf32, #tpu.memory_space<vmem>>
    %dma_start3A_364 = tpu.memref_squeeze %dma_start3A_363 : memref<1x56x224xf32, #tpu.memory_space<vmem>> -> memref<56x224xf32, #tpu.memory_space<vmem>>
    %dma_start3A_365 = arith.constant 0 : i32
    %dma_start3A_366 = tpu.memref_slice %arg2[%select_n3A_132, %select_n3A_214, %mul3A_216, %dma_start3A_365] : memref<3x32x224x224xf32, #tpu.memory_space<hbm>> -> memref<1x1x56x224xf32, #tpu.memory_space<hbm>>
    %dma_start3A_367 = tpu.memref_squeeze %dma_start3A_366 : memref<1x1x56x224xf32, #tpu.memory_space<hbm>> -> memref<56x224xf32, #tpu.memory_space<hbm>>
    tpu.enqueue_dma source(%dma_start3A_367 : memref<56x224xf32, #tpu.memory_space<hbm>>) target(%dma_start3A_364 : memref<56x224xf32, #tpu.memory_space<vmem>>) target_semaphore(%dma_start3A_360 : memref<!tpu.dma_semaphore, #tpu.memory_space<semaphore_mem>>)
    %dma_wait3A = arith.constant 0 : i32
    %dma_wait3A_368 = arith.constant 0 : i32
    %dma_wait3A_369 = arith.constant 0 : i32
    %dma_wait3A_370 = arith.constant 0 : i32
    %dma_wait3A_371 = tpu.memref_slice %arg4[%dma_wait3A, %dma_wait3A_369, %dma_wait3A_370] : memref<2x56x224xf32, #tpu.memory_space<vmem>> -> memref<1x56x224xf32, #tpu.memory_space<vmem>>
    %dma_wait3A_372 = tpu.memref_squeeze %dma_wait3A_371 : memref<1x56x224xf32, #tpu.memory_space<vmem>> -> memref<56x224xf32, #tpu.memory_space<vmem>>
    %dma_wait3A_373 = arith.constant 0 : i32
    %dma_wait3A_374 = tpu.memref_slice %arg2[%select_n3A, %select_n3A_100, %mul3A_102, %dma_wait3A_373] : memref<3x32x224x224xf32, #tpu.memory_space<hbm>> -> memref<1x1x56x224xf32, #tpu.memory_space<hbm>>
    %dma_wait3A_375 = tpu.memref_squeeze %dma_wait3A_374 : memref<1x1x56x224xf32, #tpu.memory_space<hbm>> -> memref<56x224xf32, #tpu.memory_space<hbm>>
    %dma_wait3A_376 = tpu.memref_slice %arg5[%dma_wait3A_368] : memref<2x!tpu.dma_semaphore, #tpu.memory_space<semaphore_mem>> -> memref<1x!tpu.dma_semaphore, #tpu.memory_space<semaphore_mem>>
    %dma_wait3A_377 = tpu.memref_squeeze %dma_wait3A_376 : memref<1x!tpu.dma_semaphore, #tpu.memory_space<semaphore_mem>> -> memref<!tpu.dma_semaphore, #tpu.memory_space<semaphore_mem>>
    %dma_wait3A_378 = arith.constant 0 : i32
    %dma_wait3A_379 = arith.constant 0 : i32
    %dma_wait3A_380 = tpu.memref_slice %arg4[%dma_wait3A, %dma_wait3A_378, %dma_wait3A_379] : memref<2x56x224xf32, #tpu.memory_space<vmem>> -> memref<1x56x224xf32, #tpu.memory_space<vmem>>
    %dma_wait3A_381 = tpu.memref_squeeze %dma_wait3A_380 : memref<1x56x224xf32, #tpu.memory_space<vmem>> -> memref<56x224xf32, #tpu.memory_space<vmem>>
    %dma_wait3A_382 = arith.constant 0 : i32
    %dma_wait3A_383 = tpu.memref_slice %arg2[%select_n3A, %select_n3A_100, %mul3A_102, %dma_wait3A_382] : memref<3x32x224x224xf32, #tpu.memory_space<hbm>> -> memref<1x1x56x224xf32, #tpu.memory_space<hbm>>
    %dma_wait3A_384 = tpu.memref_squeeze %dma_wait3A_383 : memref<1x1x56x224xf32, #tpu.memory_space<hbm>> -> memref<56x224xf32, #tpu.memory_space<hbm>>
    tpu.wait_dma2 semaphore(%dma_wait3A_377 : memref<!tpu.dma_semaphore, #tpu.memory_space<semaphore_mem>>) src(%dma_wait3A_384 : memref<56x224xf32, #tpu.memory_space<hbm>>) dst(%dma_wait3A_381 : memref<56x224xf32, #tpu.memory_space<vmem>>)
    %dma_start3A_385 = arith.constant 0 : i32
    %dma_start3A_386 = arith.constant 0 : i32
    %dma_start3A_387 = arith.constant 0 : i32
    %dma_start3A_388 = arith.constant 0 : i32
    %dma_start3A_389 = tpu.memref_slice %arg4[%dma_start3A_385, %dma_start3A_387, %dma_start3A_388] : memref<2x56x224xf32, #tpu.memory_space<vmem>> -> memref<1x56x224xf32, #tpu.memory_space<vmem>>
    %dma_start3A_390 = tpu.memref_squeeze %dma_start3A_389 : memref<1x56x224xf32, #tpu.memory_space<vmem>> -> memref<56x224xf32, #tpu.memory_space<vmem>>
    %dma_start3A_391 = arith.constant 0 : i32
    %dma_start3A_392 = tpu.memref_slice %arg3[%select_n3A, %select_n3A_58, %mul3A_104, %dma_start3A_391] : memref<3x8x224x224xf32, #tpu.memory_space<hbm>> -> memref<1x1x56x224xf32, #tpu.memory_space<hbm>>
    %dma_start3A_393 = tpu.memref_squeeze %dma_start3A_392 : memref<1x1x56x224xf32, #tpu.memory_space<hbm>> -> memref<56x224xf32, #tpu.memory_space<hbm>>
    %dma_start3A_394 = tpu.memref_slice %arg6[%dma_start3A_386] : memref<2x!tpu.dma_semaphore, #tpu.memory_space<semaphore_mem>> -> memref<1x!tpu.dma_semaphore, #tpu.memory_space<semaphore_mem>>
    %dma_start3A_395 = tpu.memref_squeeze %dma_start3A_394 : memref<1x!tpu.dma_semaphore, #tpu.memory_space<semaphore_mem>> -> memref<!tpu.dma_semaphore, #tpu.memory_space<semaphore_mem>>
    %dma_start3A_396 = arith.constant 0 : i32
    %dma_start3A_397 = tpu.memref_slice %arg3[%select_n3A, %select_n3A_58, %mul3A_104, %dma_start3A_396] : memref<3x8x224x224xf32, #tpu.memory_space<hbm>> -> memref<1x1x56x224xf32, #tpu.memory_space<hbm>>
    %dma_start3A_398 = tpu.memref_squeeze %dma_start3A_397 : memref<1x1x56x224xf32, #tpu.memory_space<hbm>> -> memref<56x224xf32, #tpu.memory_space<hbm>>
    %dma_start3A_399 = arith.constant 0 : i32
    %dma_start3A_400 = arith.constant 0 : i32
    %dma_start3A_401 = tpu.memref_slice %arg4[%dma_start3A_385, %dma_start3A_399, %dma_start3A_400] : memref<2x56x224xf32, #tpu.memory_space<vmem>> -> memref<1x56x224xf32, #tpu.memory_space<vmem>>
    %dma_start3A_402 = tpu.memref_squeeze %dma_start3A_401 : memref<1x56x224xf32, #tpu.memory_space<vmem>> -> memref<56x224xf32, #tpu.memory_space<vmem>>
    tpu.enqueue_dma source(%dma_start3A_402 : memref<56x224xf32, #tpu.memory_space<vmem>>) target(%dma_start3A_398 : memref<56x224xf32, #tpu.memory_space<hbm>>) target_semaphore(%dma_start3A_395 : memref<!tpu.dma_semaphore, #tpu.memory_space<semaphore_mem>>)
    %dma_wait3A_403 = arith.constant 1 : i32
    %dma_wait3A_404 = arith.constant 1 : i32
    %dma_wait3A_405 = arith.constant 0 : i32
    %dma_wait3A_406 = arith.constant 0 : i32
    %dma_wait3A_407 = tpu.memref_slice %arg4[%dma_wait3A_403, %dma_wait3A_405, %dma_wait3A_406] : memref<2x56x224xf32, #tpu.memory_space<vmem>> -> memref<1x56x224xf32, #tpu.memory_space<vmem>>
    %dma_wait3A_408 = tpu.memref_squeeze %dma_wait3A_407 : memref<1x56x224xf32, #tpu.memory_space<vmem>> -> memref<56x224xf32, #tpu.memory_space<vmem>>
    %dma_wait3A_409 = arith.constant 0 : i32
    %dma_wait3A_410 = tpu.memref_slice %arg2[%select_n3A_132, %select_n3A_214, %mul3A_216, %dma_wait3A_409] : memref<3x32x224x224xf32, #tpu.memory_space<hbm>> -> memref<1x1x56x224xf32, #tpu.memory_space<hbm>>
    %dma_wait3A_411 = tpu.memref_squeeze %dma_wait3A_410 : memref<1x1x56x224xf32, #tpu.memory_space<hbm>> -> memref<56x224xf32, #tpu.memory_space<hbm>>
    %dma_wait3A_412 = tpu.memref_slice %arg5[%dma_wait3A_404] : memref<2x!tpu.dma_semaphore, #tpu.memory_space<semaphore_mem>> -> memref<1x!tpu.dma_semaphore, #tpu.memory_space<semaphore_mem>>
    %dma_wait3A_413 = tpu.memref_squeeze %dma_wait3A_412 : memref<1x!tpu.dma_semaphore, #tpu.memory_space<semaphore_mem>> -> memref<!tpu.dma_semaphore, #tpu.memory_space<semaphore_mem>>
    %dma_wait3A_414 = arith.constant 0 : i32
    %dma_wait3A_415 = arith.constant 0 : i32
    %dma_wait3A_416 = tpu.memref_slice %arg4[%dma_wait3A_403, %dma_wait3A_414, %dma_wait3A_415] : memref<2x56x224xf32, #tpu.memory_space<vmem>> -> memref<1x56x224xf32, #tpu.memory_space<vmem>>
    %dma_wait3A_417 = tpu.memref_squeeze %dma_wait3A_416 : memref<1x56x224xf32, #tpu.memory_space<vmem>> -> memref<56x224xf32, #tpu.memory_space<vmem>>
    %dma_wait3A_418 = arith.constant 0 : i32
    %dma_wait3A_419 = tpu.memref_slice %arg2[%select_n3A_132, %select_n3A_214, %mul3A_216, %dma_wait3A_418] : memref<3x32x224x224xf32, #tpu.memory_space<hbm>> -> memref<1x1x56x224xf32, #tpu.memory_space<hbm>>
    %dma_wait3A_420 = tpu.memref_squeeze %dma_wait3A_419 : memref<1x1x56x224xf32, #tpu.memory_space<hbm>> -> memref<56x224xf32, #tpu.memory_space<hbm>>
    tpu.wait_dma2 semaphore(%dma_wait3A_413 : memref<!tpu.dma_semaphore, #tpu.memory_space<semaphore_mem>>) src(%dma_wait3A_420 : memref<56x224xf32, #tpu.memory_space<hbm>>) dst(%dma_wait3A_417 : memref<56x224xf32, #tpu.memory_space<vmem>>)
    %dma_start3A_421 = arith.constant 1 : i32
    %dma_start3A_422 = arith.constant 1 : i32
    %dma_start3A_423 = arith.constant 0 : i32
    %dma_start3A_424 = arith.constant 0 : i32
    %dma_start3A_425 = tpu.memref_slice %arg4[%dma_start3A_421, %dma_start3A_423, %dma_start3A_424] : memref<2x56x224xf32, #tpu.memory_space<vmem>> -> memref<1x56x224xf32, #tpu.memory_space<vmem>>
    %dma_start3A_426 = tpu.memref_squeeze %dma_start3A_425 : memref<1x56x224xf32, #tpu.memory_space<vmem>> -> memref<56x224xf32, #tpu.memory_space<vmem>>
    %dma_start3A_427 = arith.constant 0 : i32
    %dma_start3A_428 = tpu.memref_slice %arg3[%select_n3A_132, %select_n3A_172, %mul3A_218, %dma_start3A_427] : memref<3x8x224x224xf32, #tpu.memory_space<hbm>> -> memref<1x1x56x224xf32, #tpu.memory_space<hbm>>
    %dma_start3A_429 = tpu.memref_squeeze %dma_start3A_428 : memref<1x1x56x224xf32, #tpu.memory_space<hbm>> -> memref<56x224xf32, #tpu.memory_space<hbm>>
    %dma_start3A_430 = tpu.memref_slice %arg6[%dma_start3A_422] : memref<2x!tpu.dma_semaphore, #tpu.memory_space<semaphore_mem>> -> memref<1x!tpu.dma_semaphore, #tpu.memory_space<semaphore_mem>>
    %dma_start3A_431 = tpu.memref_squeeze %dma_start3A_430 : memref<1x!tpu.dma_semaphore, #tpu.memory_space<semaphore_mem>> -> memref<!tpu.dma_semaphore, #tpu.memory_space<semaphore_mem>>
    %dma_start3A_432 = arith.constant 0 : i32
    %dma_start3A_433 = tpu.memref_slice %arg3[%select_n3A_132, %select_n3A_172, %mul3A_218, %dma_start3A_432] : memref<3x8x224x224xf32, #tpu.memory_space<hbm>> -> memref<1x1x56x224xf32, #tpu.memory_space<hbm>>
    %dma_start3A_434 = tpu.memref_squeeze %dma_start3A_433 : memref<1x1x56x224xf32, #tpu.memory_space<hbm>> -> memref<56x224xf32, #tpu.memory_space<hbm>>
    %dma_start3A_435 = arith.constant 0 : i32
    %dma_start3A_436 = arith.constant 0 : i32
    %dma_start3A_437 = tpu.memref_slice %arg4[%dma_start3A_421, %dma_start3A_435, %dma_start3A_436] : memref<2x56x224xf32, #tpu.memory_space<vmem>> -> memref<1x56x224xf32, #tpu.memory_space<vmem>>
    %dma_start3A_438 = tpu.memref_squeeze %dma_start3A_437 : memref<1x56x224xf32, #tpu.memory_space<vmem>> -> memref<56x224xf32, #tpu.memory_space<vmem>>
    tpu.enqueue_dma source(%dma_start3A_438 : memref<56x224xf32, #tpu.memory_space<vmem>>) target(%dma_start3A_434 : memref<56x224xf32, #tpu.memory_space<hbm>>) target_semaphore(%dma_start3A_431 : memref<!tpu.dma_semaphore, #tpu.memory_space<semaphore_mem>>)
    %dma_wait3A_439 = arith.constant 0 : i32
    %dma_wait3A_440 = arith.constant 0 : i32
    %dma_wait3A_441 = arith.constant 0 : i32
    %dma_wait3A_442 = arith.constant 0 : i32
    %dma_wait3A_443 = tpu.memref_slice %arg4[%dma_wait3A_439, %dma_wait3A_441, %dma_wait3A_442] : memref<2x56x224xf32, #tpu.memory_space<vmem>> -> memref<1x56x224xf32, #tpu.memory_space<vmem>>
    %dma_wait3A_444 = tpu.memref_squeeze %dma_wait3A_443 : memref<1x56x224xf32, #tpu.memory_space<vmem>> -> memref<56x224xf32, #tpu.memory_space<vmem>>
    %dma_wait3A_445 = arith.constant 0 : i32
    %dma_wait3A_446 = tpu.memref_slice %arg3[%select_n3A, %select_n3A_58, %mul3A_104, %dma_wait3A_445] : memref<3x8x224x224xf32, #tpu.memory_space<hbm>> -> memref<1x1x56x224xf32, #tpu.memory_space<hbm>>
    %dma_wait3A_447 = tpu.memref_squeeze %dma_wait3A_446 : memref<1x1x56x224xf32, #tpu.memory_space<hbm>> -> memref<56x224xf32, #tpu.memory_space<hbm>>
    %dma_wait3A_448 = tpu.memref_slice %arg6[%dma_wait3A_440] : memref<2x!tpu.dma_semaphore, #tpu.memory_space<semaphore_mem>> -> memref<1x!tpu.dma_semaphore, #tpu.memory_space<semaphore_mem>>
    %dma_wait3A_449 = tpu.memref_squeeze %dma_wait3A_448 : memref<1x!tpu.dma_semaphore, #tpu.memory_space<semaphore_mem>> -> memref<!tpu.dma_semaphore, #tpu.memory_space<semaphore_mem>>
    %dma_wait3A_450 = arith.constant 0 : i32
    %dma_wait3A_451 = tpu.memref_slice %arg3[%select_n3A, %select_n3A_58, %mul3A_104, %dma_wait3A_450] : memref<3x8x224x224xf32, #tpu.memory_space<hbm>> -> memref<1x1x56x224xf32, #tpu.memory_space<hbm>>
    %dma_wait3A_452 = tpu.memref_squeeze %dma_wait3A_451 : memref<1x1x56x224xf32, #tpu.memory_space<hbm>> -> memref<56x224xf32, #tpu.memory_space<hbm>>
    %dma_wait3A_453 = arith.constant 0 : i32
    %dma_wait3A_454 = arith.constant 0 : i32
    %dma_wait3A_455 = tpu.memref_slice %arg4[%dma_wait3A_439, %dma_wait3A_453, %dma_wait3A_454] : memref<2x56x224xf32, #tpu.memory_space<vmem>> -> memref<1x56x224xf32, #tpu.memory_space<vmem>>
    %dma_wait3A_456 = tpu.memref_squeeze %dma_wait3A_455 : memref<1x56x224xf32, #tpu.memory_space<vmem>> -> memref<56x224xf32, #tpu.memory_space<vmem>>
    tpu.wait_dma2 semaphore(%dma_wait3A_449 : memref<!tpu.dma_semaphore, #tpu.memory_space<semaphore_mem>>) src(%dma_wait3A_456 : memref<56x224xf32, #tpu.memory_space<vmem>>) dst(%dma_wait3A_452 : memref<56x224xf32, #tpu.memory_space<hbm>>)
    %dma_start3A_457 = arith.constant 0 : i32
    %dma_start3A_458 = arith.constant 0 : i32
    %dma_start3A_459 = arith.constant 0 : i32
    %dma_start3A_460 = arith.constant 0 : i32
    %dma_start3A_461 = tpu.memref_slice %arg4[%dma_start3A_457, %dma_start3A_459, %dma_start3A_460] : memref<2x56x224xf32, #tpu.memory_space<vmem>> -> memref<1x56x224xf32, #tpu.memory_space<vmem>>
    %dma_start3A_462 = tpu.memref_squeeze %dma_start3A_461 : memref<1x56x224xf32, #tpu.memory_space<vmem>> -> memref<56x224xf32, #tpu.memory_space<vmem>>
    %dma_start3A_463 = arith.constant 0 : i32
    %dma_start3A_464 = tpu.memref_slice %arg2[%select_n3A_246, %select_n3A_328, %mul3A_330, %dma_start3A_463] : memref<3x32x224x224xf32, #tpu.memory_space<hbm>> -> memref<1x1x56x224xf32, #tpu.memory_space<hbm>>
    %dma_start3A_465 = tpu.memref_squeeze %dma_start3A_464 : memref<1x1x56x224xf32, #tpu.memory_space<hbm>> -> memref<56x224xf32, #tpu.memory_space<hbm>>
    %dma_start3A_466 = tpu.memref_slice %arg5[%dma_start3A_458] : memref<2x!tpu.dma_semaphore, #tpu.memory_space<semaphore_mem>> -> memref<1x!tpu.dma_semaphore, #tpu.memory_space<semaphore_mem>>
    %dma_start3A_467 = tpu.memref_squeeze %dma_start3A_466 : memref<1x!tpu.dma_semaphore, #tpu.memory_space<semaphore_mem>> -> memref<!tpu.dma_semaphore, #tpu.memory_space<semaphore_mem>>
    %dma_start3A_468 = arith.constant 0 : i32
    %dma_start3A_469 = arith.constant 0 : i32
    %dma_start3A_470 = tpu.memref_slice %arg4[%dma_start3A_457, %dma_start3A_468, %dma_start3A_469] : memref<2x56x224xf32, #tpu.memory_space<vmem>> -> memref<1x56x224xf32, #tpu.memory_space<vmem>>
    %dma_start3A_471 = tpu.memref_squeeze %dma_start3A_470 : memref<1x56x224xf32, #tpu.memory_space<vmem>> -> memref<56x224xf32, #tpu.memory_space<vmem>>
    %dma_start3A_472 = arith.constant 0 : i32
    %dma_start3A_473 = tpu.memref_slice %arg2[%select_n3A_246, %select_n3A_328, %mul3A_330, %dma_start3A_472] : memref<3x32x224x224xf32, #tpu.memory_space<hbm>> -> memref<1x1x56x224xf32, #tpu.memory_space<hbm>>
    %dma_start3A_474 = tpu.memref_squeeze %dma_start3A_473 : memref<1x1x56x224xf32, #tpu.memory_space<hbm>> -> memref<56x224xf32, #tpu.memory_space<hbm>>
    tpu.enqueue_dma source(%dma_start3A_474 : memref<56x224xf32, #tpu.memory_space<hbm>>) target(%dma_start3A_471 : memref<56x224xf32, #tpu.memory_space<vmem>>) target_semaphore(%dma_start3A_467 : memref<!tpu.dma_semaphore, #tpu.memory_space<semaphore_mem>>)
    %dma_wait3A_475 = arith.constant 0 : i32
    %dma_wait3A_476 = arith.constant 0 : i32
    %dma_wait3A_477 = arith.constant 0 : i32
    %dma_wait3A_478 = arith.constant 0 : i32
    %dma_wait3A_479 = tpu.memref_slice %arg4[%dma_wait3A_475, %dma_wait3A_477, %dma_wait3A_478] : memref<2x56x224xf32, #tpu.memory_space<vmem>> -> memref<1x56x224xf32, #tpu.memory_space<vmem>>
    %dma_wait3A_480 = tpu.memref_squeeze %dma_wait3A_479 : memref<1x56x224xf32, #tpu.memory_space<vmem>> -> memref<56x224xf32, #tpu.memory_space<vmem>>
    %dma_wait3A_481 = arith.constant 0 : i32
    %dma_wait3A_482 = tpu.memref_slice %arg2[%select_n3A_246, %select_n3A_328, %mul3A_330, %dma_wait3A_481] : memref<3x32x224x224xf32, #tpu.memory_space<hbm>> -> memref<1x1x56x224xf32, #tpu.memory_space<hbm>>
    %dma_wait3A_483 = tpu.memref_squeeze %dma_wait3A_482 : memref<1x1x56x224xf32, #tpu.memory_space<hbm>> -> memref<56x224xf32, #tpu.memory_space<hbm>>
    %dma_wait3A_484 = tpu.memref_slice %arg5[%dma_wait3A_476] : memref<2x!tpu.dma_semaphore, #tpu.memory_space<semaphore_mem>> -> memref<1x!tpu.dma_semaphore, #tpu.memory_space<semaphore_mem>>
    %dma_wait3A_485 = tpu.memref_squeeze %dma_wait3A_484 : memref<1x!tpu.dma_semaphore, #tpu.memory_space<semaphore_mem>> -> memref<!tpu.dma_semaphore, #tpu.memory_space<semaphore_mem>>
    %dma_wait3A_486 = arith.constant 0 : i32
    %dma_wait3A_487 = arith.constant 0 : i32
    %dma_wait3A_488 = tpu.memref_slice %arg4[%dma_wait3A_475, %dma_wait3A_486, %dma_wait3A_487] : memref<2x56x224xf32, #tpu.memory_space<vmem>> -> memref<1x56x224xf32, #tpu.memory_space<vmem>>
    %dma_wait3A_489 = tpu.memref_squeeze %dma_wait3A_488 : memref<1x56x224xf32, #tpu.memory_space<vmem>> -> memref<56x224xf32, #tpu.memory_space<vmem>>
    %dma_wait3A_490 = arith.constant 0 : i32
    %dma_wait3A_491 = tpu.memref_slice %arg2[%select_n3A_246, %select_n3A_328, %mul3A_330, %dma_wait3A_490] : memref<3x32x224x224xf32, #tpu.memory_space<hbm>> -> memref<1x1x56x224xf32, #tpu.memory_space<hbm>>
    %dma_wait3A_492 = tpu.memref_squeeze %dma_wait3A_491 : memref<1x1x56x224xf32, #tpu.memory_space<hbm>> -> memref<56x224xf32, #tpu.memory_space<hbm>>
    tpu.wait_dma2 semaphore(%dma_wait3A_485 : memref<!tpu.dma_semaphore, #tpu.memory_space<semaphore_mem>>) src(%dma_wait3A_492 : memref<56x224xf32, #tpu.memory_space<hbm>>) dst(%dma_wait3A_489 : memref<56x224xf32, #tpu.memory_space<vmem>>)
    %dma_start3A_493 = arith.constant 0 : i32
    %dma_start3A_494 = arith.constant 0 : i32
    %dma_start3A_495 = arith.constant 0 : i32
    %dma_start3A_496 = arith.constant 0 : i32
    %dma_start3A_497 = tpu.memref_slice %arg4[%dma_start3A_493, %dma_start3A_495, %dma_start3A_496] : memref<2x56x224xf32, #tpu.memory_space<vmem>> -> memref<1x56x224xf32, #tpu.memory_space<vmem>>
    %dma_start3A_498 = tpu.memref_squeeze %dma_start3A_497 : memref<1x56x224xf32, #tpu.memory_space<vmem>> -> memref<56x224xf32, #tpu.memory_space<vmem>>
    %dma_start3A_499 = arith.constant 0 : i32
    %dma_start3A_500 = tpu.memref_slice %arg3[%select_n3A_246, %select_n3A_286, %mul3A_332, %dma_start3A_499] : memref<3x8x224x224xf32, #tpu.memory_space<hbm>> -> memref<1x1x56x224xf32, #tpu.memory_space<hbm>>
    %dma_start3A_501 = tpu.memref_squeeze %dma_start3A_500 : memref<1x1x56x224xf32, #tpu.memory_space<hbm>> -> memref<56x224xf32, #tpu.memory_space<hbm>>
    %dma_start3A_502 = tpu.memref_slice %arg6[%dma_start3A_494] : memref<2x!tpu.dma_semaphore, #tpu.memory_space<semaphore_mem>> -> memref<1x!tpu.dma_semaphore, #tpu.memory_space<semaphore_mem>>
    %dma_start3A_503 = tpu.memref_squeeze %dma_start3A_502 : memref<1x!tpu.dma_semaphore, #tpu.memory_space<semaphore_mem>> -> memref<!tpu.dma_semaphore, #tpu.memory_space<semaphore_mem>>
    %dma_start3A_504 = arith.constant 0 : i32
    %dma_start3A_505 = tpu.memref_slice %arg3[%select_n3A_246, %select_n3A_286, %mul3A_332, %dma_start3A_504] : memref<3x8x224x224xf32, #tpu.memory_space<hbm>> -> memref<1x1x56x224xf32, #tpu.memory_space<hbm>>
    %dma_start3A_506 = tpu.memref_squeeze %dma_start3A_505 : memref<1x1x56x224xf32, #tpu.memory_space<hbm>> -> memref<56x224xf32, #tpu.memory_space<hbm>>
    %dma_start3A_507 = arith.constant 0 : i32
    %dma_start3A_508 = arith.constant 0 : i32
    %dma_start3A_509 = tpu.memref_slice %arg4[%dma_start3A_493, %dma_start3A_507, %dma_start3A_508] : memref<2x56x224xf32, #tpu.memory_space<vmem>> -> memref<1x56x224xf32, #tpu.memory_space<vmem>>
    %dma_start3A_510 = tpu.memref_squeeze %dma_start3A_509 : memref<1x56x224xf32, #tpu.memory_space<vmem>> -> memref<56x224xf32, #tpu.memory_space<vmem>>
    tpu.enqueue_dma source(%dma_start3A_510 : memref<56x224xf32, #tpu.memory_space<vmem>>) target(%dma_start3A_506 : memref<56x224xf32, #tpu.memory_space<hbm>>) target_semaphore(%dma_start3A_503 : memref<!tpu.dma_semaphore, #tpu.memory_space<semaphore_mem>>)
    %dma_wait3A_511 = arith.constant 1 : i32
    %dma_wait3A_512 = arith.constant 1 : i32
    %dma_wait3A_513 = arith.constant 0 : i32
    %dma_wait3A_514 = arith.constant 0 : i32
    %dma_wait3A_515 = tpu.memref_slice %arg4[%dma_wait3A_511, %dma_wait3A_513, %dma_wait3A_514] : memref<2x56x224xf32, #tpu.memory_space<vmem>> -> memref<1x56x224xf32, #tpu.memory_space<vmem>>
    %dma_wait3A_516 = tpu.memref_squeeze %dma_wait3A_515 : memref<1x56x224xf32, #tpu.memory_space<vmem>> -> memref<56x224xf32, #tpu.memory_space<vmem>>
    %dma_wait3A_517 = arith.constant 0 : i32
    %dma_wait3A_518 = tpu.memref_slice %arg3[%select_n3A_132, %select_n3A_172, %mul3A_218, %dma_wait3A_517] : memref<3x8x224x224xf32, #tpu.memory_space<hbm>> -> memref<1x1x56x224xf32, #tpu.memory_space<hbm>>
    %dma_wait3A_519 = tpu.memref_squeeze %dma_wait3A_518 : memref<1x1x56x224xf32, #tpu.memory_space<hbm>> -> memref<56x224xf32, #tpu.memory_space<hbm>>
    %dma_wait3A_520 = tpu.memref_slice %arg6[%dma_wait3A_512] : memref<2x!tpu.dma_semaphore, #tpu.memory_space<semaphore_mem>> -> memref<1x!tpu.dma_semaphore, #tpu.memory_space<semaphore_mem>>
    %dma_wait3A_521 = tpu.memref_squeeze %dma_wait3A_520 : memref<1x!tpu.dma_semaphore, #tpu.memory_space<semaphore_mem>> -> memref<!tpu.dma_semaphore, #tpu.memory_space<semaphore_mem>>
    %dma_wait3A_522 = arith.constant 0 : i32
    %dma_wait3A_523 = tpu.memref_slice %arg3[%select_n3A_132, %select_n3A_172, %mul3A_218, %dma_wait3A_522] : memref<3x8x224x224xf32, #tpu.memory_space<hbm>> -> memref<1x1x56x224xf32, #tpu.memory_space<hbm>>
    %dma_wait3A_524 = tpu.memref_squeeze %dma_wait3A_523 : memref<1x1x56x224xf32, #tpu.memory_space<hbm>> -> memref<56x224xf32, #tpu.memory_space<hbm>>
    %dma_wait3A_525 = arith.constant 0 : i32
    %dma_wait3A_526 = arith.constant 0 : i32
    %dma_wait3A_527 = tpu.memref_slice %arg4[%dma_wait3A_511, %dma_wait3A_525, %dma_wait3A_526] : memref<2x56x224xf32, #tpu.memory_space<vmem>> -> memref<1x56x224xf32, #tpu.memory_space<vmem>>
    %dma_wait3A_528 = tpu.memref_squeeze %dma_wait3A_527 : memref<1x56x224xf32, #tpu.memory_space<vmem>> -> memref<56x224xf32, #tpu.memory_space<vmem>>
    tpu.wait_dma2 semaphore(%dma_wait3A_521 : memref<!tpu.dma_semaphore, #tpu.memory_space<semaphore_mem>>) src(%dma_wait3A_528 : memref<56x224xf32, #tpu.memory_space<vmem>>) dst(%dma_wait3A_524 : memref<56x224xf32, #tpu.memory_space<hbm>>)
    %dma_wait3A_529 = arith.constant 0 : i32
    %dma_wait3A_530 = arith.constant 0 : i32
    %dma_wait3A_531 = arith.constant 0 : i32
    %dma_wait3A_532 = arith.constant 0 : i32
    %dma_wait3A_533 = tpu.memref_slice %arg4[%dma_wait3A_529, %dma_wait3A_531, %dma_wait3A_532] : memref<2x56x224xf32, #tpu.memory_space<vmem>> -> memref<1x56x224xf32, #tpu.memory_space<vmem>>
    %dma_wait3A_534 = tpu.memref_squeeze %dma_wait3A_533 : memref<1x56x224xf32, #tpu.memory_space<vmem>> -> memref<56x224xf32, #tpu.memory_space<vmem>>
    %dma_wait3A_535 = arith.constant 0 : i32
    %dma_wait3A_536 = tpu.memref_slice %arg3[%select_n3A_246, %select_n3A_286, %mul3A_332, %dma_wait3A_535] : memref<3x8x224x224xf32, #tpu.memory_space<hbm>> -> memref<1x1x56x224xf32, #tpu.memory_space<hbm>>
    %dma_wait3A_537 = tpu.memref_squeeze %dma_wait3A_536 : memref<1x1x56x224xf32, #tpu.memory_space<hbm>> -> memref<56x224xf32, #tpu.memory_space<hbm>>
    %dma_wait3A_538 = tpu.memref_slice %arg6[%dma_wait3A_530] : memref<2x!tpu.dma_semaphore, #tpu.memory_space<semaphore_mem>> -> memref<1x!tpu.dma_semaphore, #tpu.memory_space<semaphore_mem>>
    %dma_wait3A_539 = tpu.memref_squeeze %dma_wait3A_538 : memref<1x!tpu.dma_semaphore, #tpu.memory_space<semaphore_mem>> -> memref<!tpu.dma_semaphore, #tpu.memory_space<semaphore_mem>>
    %dma_wait3A_540 = arith.constant 0 : i32
    %dma_wait3A_541 = tpu.memref_slice %arg3[%select_n3A_246, %select_n3A_286, %mul3A_332, %dma_wait3A_540] : memref<3x8x224x224xf32, #tpu.memory_space<hbm>> -> memref<1x1x56x224xf32, #tpu.memory_space<hbm>>
    %dma_wait3A_542 = tpu.memref_squeeze %dma_wait3A_541 : memref<1x1x56x224xf32, #tpu.memory_space<hbm>> -> memref<56x224xf32, #tpu.memory_space<hbm>>
    %dma_wait3A_543 = arith.constant 0 : i32
    %dma_wait3A_544 = arith.constant 0 : i32
    %dma_wait3A_545 = tpu.memref_slice %arg4[%dma_wait3A_529, %dma_wait3A_543, %dma_wait3A_544] : memref<2x56x224xf32, #tpu.memory_space<vmem>> -> memref<1x56x224xf32, #tpu.memory_space<vmem>>
    %dma_wait3A_546 = tpu.memref_squeeze %dma_wait3A_545 : memref<1x56x224xf32, #tpu.memory_space<vmem>> -> memref<56x224xf32, #tpu.memory_space<vmem>>
    tpu.wait_dma2 semaphore(%dma_wait3A_539 : memref<!tpu.dma_semaphore, #tpu.memory_space<semaphore_mem>>) src(%dma_wait3A_546 : memref<56x224xf32, #tpu.memory_space<vmem>>) dst(%dma_wait3A_542 : memref<56x224xf32, #tpu.memory_space<hbm>>)
    return
  }
}

</mosaic_0001>

<sc_bundles>
// kernel: kernel.3.cloned.1.call-start
scs
__scs_entry_jumppad:
0x0: {  	(pc) =	sbr.rel $0x88, $3  }
0x1: {  	(tag) =	ssettag $0x0;
	lr =	simm.s32 $0x1  }
0x2: {  	[smem:$0x3FA0] =	sst lr;
	_ =	strace $0xD0000000  }
0x3: {  	_ = 	snop  }
0x4: {  	_ = 	snop  }
0x5: {  	_ = 	snop  }
0x6: {  	_ = 	snop  }
0x7: {  	_ = 	snop  }
__scs_overlays_trampoline_lowered:
0x8: {  	[smem:$0x3FAF] =	sst s0  }
0x9: {  	[smem:$0x3FB0] =	sst s1  }
0xa: {  	[smem:$0x3FB1] =	sst s2  }
0xb: {  	[smem:$0x3FB2] =	sst s3  }
0xc: {  	[smem:$0x3FB3] =	sst s4  }
0xd: {  	[smem:$0x3FB4] =	sst s5  }
0xe: {  	[smem:$0x3FB5] =	sst s6  }
0xf: {  	[smem:$0x3FB6] =	sst s7  }
0x10: {  	[smem:$0x3FB7] =	sst s8  }
0x11: {  	[smem:$0x3FB8] =	sst s9;
	s0 =	simm.s32 @!p0 $0x0  }
0x12: {  	s1 =	sld [smem:$0x3F9E];
	s0 =	simm.s32 @p0 $0x1  }
0x13: {  	[smem:$0x3FB9] =	sst s0;
	s0 =	simm.s32 @!p1 $0x0  }
0x14: {  	s2 =	sld [smem:$0x3F9D];
	s0 =	simm.s32 @p1 $0x1  }
0x15: {  	[smem:$0x3FBA] =	sst s0;
	s0 =	simm.s32 @!p2 $0x0  }
0x16: {  	s3 =	sld [smem:$0x3FDB];
	s0 =	simm.s32 @p2 $0x1  }
0x17: {  	s4 =	simm.s32 $0x1BF5;
	[smem:$0x3FBC] =	sst s0  }
0x18: {  	s0 =	sld [smem:$0x3F9F];
	_ =	swait.ge [sflag:s4], $0x0  }
0x19: {  	s7 =	sld [smem:$0x3FA0]  }
0x1a: {  	s8 =	sadd.s32 $0xFFFFE003, lr  }
0x1b: {  	s9 =	sadd.s32 $0xFFFFFEF7, lr;
	s5 =	simm.s32 $0xFFFFFFFF;
	p2 =	slt.u32 s8, $0xFFFFF086  }
0x1c: {  	p1 =	slt.u32 s9, $0xF7A;
	s5 =	simm.s32 @!p2 $0x0  }
0x1d: {  	s5 =	simm.s32 @p1 $0x1;
	p0 =	seq.s32 s7, s2  }
0x1e: {  	s7 =	smul.u32 @!p0 $0xF7A, s2;
	p2 =	seq.s32 @!p0 s5, $0x0  }
0x1f: {  	s9 =	smul.u32 $0xF7A, s1;
	s8 =	simm.s32 @!p0 $0x1BF5;
	p2 =	por !p2, p0  }
0x20: {  	[sflag:s8] =	ssyncset.s32 @!p0 $0xFFFFF086;
	s6 =	sadd.s32 @!p0 s3, s7;
	s7 =	simm.s32 @!p0 $0x108  }
0x21: {  	s3 =	sadd.s32 s3, s9;
	s6 =	sadd.s32 @!p0 $0x88, s6;
	s7 =	simm.s32 @p2 $0x1082  }
0x22: {  	[simem:s7], [sflag:s8] =	dma.local @!p0 [hbm:s6], $0xF7A  }
0x23: {  	s9 =	sor.u32 $0xD0000000, s2;
	s6 =	simm.s32 $0x108;
	_ =	swait.ge @!p0 [sflag:s8], $0x0  }
0x24: {  	s3 =	sadd.s32 $0x88, s3;
	s6 =	simm.s32 @!p1 $0x1082;
	[sflag:s4] =	ssyncset.s32 $0xFFFFF086  }
0x25: {  	[simem:s6], [sflag:s4] =	dma.local [hbm:s3], $0xF7A  }
0x26: {  	[smem:$0x3FA0] =	sst s1;
	(tag) =	ssettag s2;
	_ =	strace s9  }
0x27: {  	s1 =	sld [smem:$0x3FB0]  }
0x28: {  	s2 =	sld [smem:$0x3FB1]  }
0x29: {  	s4 =	sld [smem:$0x3FB3]  }
0x2a: {  	p0 =	seq.s32 s5, $0x0;
	s5 =	sld [smem:$0x3FB4]  }
0x2b: {  	s6 =	sld [smem:$0x3FB5]  }
0x2c: {  	s7 =	sld [smem:$0x3FB6]  }
0x2d: {  	s3 =	simm.s32 $0x108;
	s8 =	sld [smem:$0x3FB7]  }
0x2e: {  	s3 =	simm.s32 @!p0 $0x1082;
	s9 =	sld [smem:$0x3FB8]  }
0x2f: {  	lr =	sadd.s32 s0, s3;
	s0 =	sld [smem:$0x3FAF]  }
0x30: {  	s3 =	sld [smem:$0x3FB2]  }
0x31: {  	[smem:$0x3FBB] =	sst s10  }
0x32: {  	s10 =	sld [smem:$0x3FB9];
	_ =	sdelay $0x3  }
0x33: {  	p0 =	seq.s32 s10, $0x1;
	s10 =	sld [smem:$0x3FBB];
	_ =	sdelay $0x3  }
0x34: {  	[smem:$0x3FBB] =	sst s10  }
0x35: {  	s10 =	sld [smem:$0x3FBA];
	_ =	sdelay $0x3  }
0x36: {  	p1 =	seq.s32 s10, $0x1;
	s10 =	sld [smem:$0x3FBB];
	_ =	sdelay $0x3  }
0x37: {  	[smem:$0x3FBB] =	sst s10  }
0x38: {  	s10 =	sld [smem:$0x3FBC]  }
0x39: {  	_ = 	snop;
	(pc) =	sbr.ind lr, $3  }
0x3a: {  	_ = 	snop  }
0x3b: {  	_ = 	snop  }
0x3c: {  	p2 =	seq.s32 s10, $0x1;
	s10 =	sld [smem:$0x3FBB]  }
0x3d: {  	_ =	shalt  }
0x3e: {  	_ =	shalt  }
0x3f: {  	_ =	shalt  }
0x40: {  	_ =	shalt  }
0x41: {  	_ =	shalt  }
0x42: {  	_ =	shalt  }
0x43: {  	_ =	shalt  }
0x44: {  	_ =	shalt  }
0x45: {  	_ =	shalt  }
0x46: {  	_ =	shalt  }
0x47: {  	_ =	shalt  }
0x48: {  	_ =	shalt  }
0x49: {  	_ =	shalt  }
0x4a: {  	_ =	shalt  }
0x4b: {  	_ =	shalt  }
0x4c: {  	_ =	shalt  }
0x4d: {  	_ =	shalt  }
0x4e: {  	_ =	shalt  }
0x4f: {  	_ =	shalt  }
0x50: {  	_ =	shalt  }
0x51: {  	_ =	shalt  }
0x52: {  	_ =	shalt  }
0x53: {  	_ =	shalt  }
0x54: {  	_ =	shalt  }
0x55: {  	_ =	shalt  }
0x56: {  	_ =	shalt  }
0x57: {  	_ =	shalt  }
0x58: {  	_ =	shalt  }
0x59: {  	_ =	shalt  }
0x5a: {  	_ =	shalt  }
0x5b: {  	_ =	shalt  }
0x5c: {  	_ =	shalt  }
0x5d: {  	_ =	shalt  }
0x5e: {  	_ =	shalt  }
0x5f: {  	_ =	shalt  }
0x60: {  	_ =	shalt  }
0x61: {  	_ =	shalt  }
0x62: {  	_ =	shalt  }
0x63: {  	_ =	shalt  }
0x64: {  	_ =	shalt  }
0x65: {  	_ =	shalt  }
0x66: {  	_ =	shalt  }
0x67: {  	_ =	shalt  }
0x68: {  	_ =	shalt  }
0x69: {  	_ =	shalt  }
0x6a: {  	_ =	shalt  }
0x6b: {  	_ =	shalt  }
0x6c: {  	_ =	shalt  }
0x6d: {  	_ =	shalt  }
0x6e: {  	_ =	shalt  }
0x6f: {  	_ =	shalt  }
0x70: {  	_ =	shalt  }
0x71: {  	_ =	shalt  }
0x72: {  	_ =	shalt  }
0x73: {  	_ =	shalt  }
0x74: {  	_ =	shalt  }
0x75: {  	_ =	shalt  }
0x76: {  	_ =	shalt  }
0x77: {  	_ =	shalt  }
0x78: {  	_ =	shalt  }
0x79: {  	_ =	shalt  }
0x7a: {  	_ =	shalt  }
0x7b: {  	_ =	shalt  }
0x7c: {  	_ =	shalt  }
0x7d: {  	_ =	shalt  }
0x7e: {  	_ =	shalt  }
0x7f: {  	_ =	shalt  }
0x80: {  	_ =	shalt  }
0x81: {  	_ =	shalt  }
0x82: {  	_ =	shalt  }
0x83: {  	_ =	shalt  }
0x84: {  	_ =	shalt  }
0x85: {  	_ =	shalt  }
0x86: {  	_ =	shalt  }
0x87: {  	_ =	shalt  }
.Lfunc_end0:
.L_simem_size_0:
called_computation_lowered:
.L_overlay_start_0:
0x88: {  	s2 =	sld [smem:$0x3FD9]  }
0x89: {  	s3 =	sld [smem:$0x3FFE];
	_ =	sdelay $0x1  }
0x8a: {  	s1 =	srdreg.scid  }
0x8b: {  	s0 =	sand.u32 $0x1, s1  }
0x8c: {  	s15 =	sshll.u32 s0, $0xA;
	s2 =	sadd.s32 s3, s2  }
0x8d: {  	s2 =	sadd.s32 s2, s15  }
0x8e: {  	[smem:$0x3FC7] =	sst s2  }
0x8f: {  	_ = 	snop  }
0x90: {  	s2 =	sld [smem:$0x3FD0];
	_ =	sdelay $0x2  }
0x91: {  	s4 =	simm.s32 $0xA;
	s5 =	simm.s32 $0x10;
	s16 =	sld [smem:$0x3FC9]  }
0x92: {  	[smem:s5], [sflag:s4] =	dma.local [hbm:s2], $0x1  }
0x93: {  	_ =	swait.eq [sflag:s4], $0x1  }
0x94: {  	[sflag:s4] =	ssyncset.done $0x0  }
0x95: {  	[sflag:s4] =	ssyncadd.s32 $0xFFFFFFFF  }
0x96: {  	s17 =	sld [smem:$0x10];
	(tm) =	ssettm $0x1  }
0x97: {  	s18 =	sld [smem:$0x3FFB];
	_ =	sdelay $0x3  }
0x98: {  	_ =	strace s18  }
0x99: {  	s4 =	sld [smem:$0x3FFC];
	_ =	sdelay $0x3  }
0x9a: {  	_ =	strace s4  }
0x9b: {  	s4 =	sld [smem:$0x3FFD];
	_ =	sdelay $0x3  }
0x9c: {  	_ =	strace s4  }
0x9d: {  	_ =	strace $0x8FFFFFFF  }
0x9e: {  	s19 =	sld [smem:$0x3FDB];
	_ =	sdelay $0x1  }
0x9f: {  	s20 =	simm.s32 $_scs_section_size  }
0xa0: {  	s6 =	simm.s32 $_size__tile_overlayer_lowered;
	s7 =	simm.s32 $_tile_overlayer_lowered  }
0xa1: {  	s23 =	simm.s32 $0x1BFF;
	s22 =	sshll.u32 s7, $0x1;
	s4 =	sadd.s32 s20, s19  }
0xa2: {  	s8 =	simm.s32 $0x0;
	s21 =	sshll.u32 s6, $0x1;
	s6 =	sadd.s32 s22, s4  }
0xa3: {  	[timem:s8], [sflag:s23] =	dma.local [hbm:s6], s21  }
0xa4: {  	_ =	swait.ge [sflag:s23], s21  }
0xa5: {  	s5 =	ssub.s32 $0x0, s21;
	[sflag:s23] =	ssyncset.done $0x0  }
0xa6: {  	[sflag:s23] =	ssyncadd.s32 s5;
	_ =	sdelay $0x1  }
0xa7: {  	s24 =	simm.s32 $0x1B8B  }
0xa8: {  	_ =	swait.ge [sflag:s24], $0x1  }
0xa9: {  	[sflag:s24] =	ssyncset.done $0x0  }
0xaa: {  	s25 =	simm.s32 $0x1B8E;
	[sflag:s24] =	ssyncadd.s32 $0xFFFFFFFF  }
0xab: {  	s26 =	simm.s32 $execute0_lowered;
	[smem:$0x3FD2] =	sst s25  }
0xac: {  	s5 =	sshll.u32 s26, $0x1;
	_ =	strace $0x80000046;
	[dreg:$0x1] =	wrdreg $0xFFFFFFFF  }
0xad: {  	s28 =	simm.s32 $_size_execute0_lowered;
	s4 =	sadd.s32 s4, s5;
	[dreg:$0x0] =	wrdreg $0x0  }
0xae: {  	s5 =	sshll.u32 s28, $0x1;
	[dreg:$0x2] =	wrdreg s4  }
0xaf: {  	[dreg:$0x3] =	wrdreg s5  }
0xb0: {  	[dreg:$0x4] =	wrdreg $0xC0  }
0xb1: {  	_ =	task [dreg:s8], $0x5FFFF  }
0xb2: {  	[dreg:$0x1] =	wrdreg $0xFFFFFFFF  }
0xb3: {  	[dreg:$0x0] =	wrdreg $0x60  }
0xb4: {  	[dreg:$0x2] =	wrdreg s16  }
0xb5: {  	[dreg:$0x3] =	wrdreg s17  }
0xb6: {  	[dreg:$0x4] =	wrdreg $0x9  }
0xb7: {  	_ =	task.clear_ibuf [dreg:s8], $0x5FFFF;
	_ =	strace $0x90000046  }
0xb8: {  	s29 =	simm.s32 $0x9;
	_ =	strace $0x80000048  }
0xb9: {  	_ =	swait.ge [sflag:s29], $0x1  }
0xba: {  	[sflag:s29] =	ssyncadd.s32 $0xFFFFFFFF  }
0xbb: {  	_ =	strace $0x90000048  }
0xbc: {  	_ =	sfence  }
0xbd: {  	s30 =	sld [smem:$0x0];
	_ =	sdelay $0x2  }
0xbe: {  	s31 =	sshll.u32 s1, $0xD;
	s1 =	sshrl.u32 s1, $0x2  }
0xbf: {  	s3 =	sand.u32 $0x4000, s31;
	s1 =	sadd.s32 s1, s30  }
0xc0: {  	s0 =	sor.u32 s3, s0;
	s1 =	sshll.u32 s1, $0x11  }
0xc1: {  	s0 =	sor.u32 s1, s0  }
0xc2: {  	s0 =	sadd.s32 $0x8F2B, s0  }
0xc3: {  	[sflag:s0] =	ssyncadd.remote.s32 $0x1  }
0xc4: {  	_ =	sfence.sel $0xFFFF  }
0xc5: {  	[dreg:$0x0] =	wrdreg $0xFFFFFFFF;
	(pc) =	sbr.abs _section_cstart, $3  }
0xc6: {  	[dreg:$0x1] =	wrdreg $0xFFFFFFFF  }
0xc7: {  	_ =	task.clear_ibuf [dreg:s8], $0x2FFFF;
	_ =	strace $0x9FFFFFFF  }
0xc8: {  	(tm) =	ssettm $0x7FFFFFFF  }
0xc9: {  	_ =	shalt  }
tec
execute0_lowered:
.L_overlay_start_1:
0x0: {  	(tag) =	ssettag $0x1  }
0x1: {  	s1 =	srdreg.scid;
	s0 =	stileid.u32  }
0x2: {  	s7 =	sand.u32 $0x1, s1;
	s23 =	sshll.u32 s0, $0x1  }
0x3: {  	s1 =	sor.u32 s7, s23  }
0x4: {  	s3 =	smul.u32 $0x3, s1;
	_ =	sdelay $0x1  }
0x5: {  	s4 =	sadd.s32 $0x2, s3;
	s10 =	sand.u32 $0x3, s3  }
0x6: {  	s6 =	sshrl.u32 s3, $0x2;
	s24 =	sshrl.u32 s3, $0x5;
	s10 =	smul.u32 $0x3800, s10  }
0x7: {  	s3 =	sadd.s32 $0x1, s3;
	s6 =	sand.u32 $0x7, s6;
	s26 =	smul.u32 $0x1C0000, s24  }
0x8: {  	s13 =	sshrl.u32 s3, $0x5;
	s12 =	smul.u32 $0x47B, s6  }
0x9: {  	s15 =	sshrl.u32 s3, $0x2;
	s3 =	sand.u32 $0x3, s3;
	s16 =	smul.u32 $0x1F, s6  }
0xa: {  	s20 =	smul.u32 $0x3800, s3  }
0xb: {  	s5 =	sshrl.u32 s4, $0x2;
	s29 =	smul.u32 $0x1C0000, s13  }
0xc: {  	s14 =	sand.u32 $0x7, s5;
	s5 =	smul.u32 $0x70000, s24  }
0xd: {  	s6 =	smul.u32 $0xE000, s6  }
0xe: {  	s11 =	rddreg [dreg:$0x0];
	s23 =	smul.u32 $0x70000, s13  }
0xf: {  	s9 =	rddreg [dreg:$0x1];
	s2 =	simm.s32 $0x0;
	s8 =	smul.u32 $0x47B, s14  }
0x10: {  	[smem:$0x7FF] =	sst s2;
	s15 =	sand.u32 $0x7, s15;
	s17 =	smul.u32 $0x1F, s14  }
0x11: {  	s1 =	rddreg [dreg:$0x2];
	_ =	strace $0x80000047;
	s18 =	smul.u32 $0x47B, s15  }
0x12: {  	s30 =	sshrl.u32 s4, $0x5;
	s19 =	smul.u32 $0x1F, s15;
	s12 =	sshrl.u32 s12, $0x8  }
0x13: {  	s31 =	sand.u32 $0x3, s4;
	s24 =	smul.u32 $0xE000, s15;
	s16 =	ssub.s32 s16, s12  }
0x14: {  	s5 =	sor.u32 s5, s10;
	s18 =	sshrl.u32 s18, $0x8;
	s16 =	sand.u32 $0xFE, s16  }
0x15: {  	s8 =	sshrl.u32 s8, $0x8;
	s25 =	ssub.s32 s19, s18;
	s16 =	sshrl.u32 s16, $0x1  }
0x16: {  	s17 =	ssub.s32 s17, s8;
	s12 =	sadd.s32 s12, s16;
	s16 =	sand.u32 $0xFE, s25  }
0x17: {  	s5 =	sadd.s32 s6, s5;
	s17 =	sand.u32 $0xFE, s17;
	s16 =	sshrl.u32 s16, $0x1  }
0x18: {  	s17 =	sshrl.u32 s17, $0x1;
	s12 =	sshrl.u32 s12, $0x2;
	s28 =	sadd.s32 s18, s16  }
0x19: {  	s8 =	sadd.s32 s8, s17;
	s12 =	smul.u32 $0xE000, s12;
	s3 =	sshrl.u32 s28, $0x2  }
0x1a: {  	s21 =	sshrl.u32 s8, $0x2;
	s8 =	sor.u32 s26, s10;
	s3 =	smul.u32 $0xE000, s3  }
0x1b: {  	s6 =	simm.s32 $0x1;
	s16 =	sor.u32 s29, s20;
	s4 =	sadd.s32 s12, s8  }
0x1c: {  	s22 =	sshrl.u32 s5, $0x3;
	s4 =	sshrl.u32 s4, $0x3;
	s8 =	sadd.s32 s3, s16  }
0x1d: {  	s25 =	smul.u32 $0x1C0000, s30;
	s3 =	sadd.s32 s11, s4;
	s19 =	sshrl.u32 s8, $0x3  }
0x1e: {  	[tilespmem:s2], [sflag:$0x1] =	stream.linear.gather [hbm4b:s3+s2], $0x3800, $0x38;
	[tilespmem:$0x7000] =	vst v63  }
0x1f: {  	s5 =	simm.s32 $0x3800;
	s17 =	smul.u32 $0x70000, s30;
	s4 =	sadd.s32 s11, s19  }
0x20: {  	[tilespmem:s5], [sflag:$0x2] =	stream.linear.gather [hbm4b:s4+s2], $0x3800, $0x38;
	[tilespmem:$0x7000] =	vst v63  }
0x21: {  	s10 =	sor.u32 s23, s20;
	s26 =	smul.u32 $0x3800, s31;
	_ =	swait.ge [sflag:s6], $0x3800  }
0x22: {  	s29 =	ssub.s32 $0x2, s7;
	s12 =	sadd.s32 s24, s10;
	[sflag:s6] =	ssyncset.done $0x0  }
0x23: {  	s10 =	simm.s32 $0x2;
	s8 =	sadd.s32 s9, s22;
	[sflag:s6] =	ssyncadd.s32 $0xFFFFC800  }
0x24: {  	[hbm4b:s8+s2] =	stream.linear.scatter [tilespmem:s2], [sflag:$0x3], $0x3800, $0x38;
	[tilespmem:$0x7000] =	vst v63  }
0x25: {  	s28 =	smul.u32 $0xE000, s21;
	s12 =	sshrl.u32 s12, $0x3;
	_ =	swait.ge [sflag:s10], $0x3800  }
0x26: {  	s13 =	sor.u32 s25, s26;
	s12 =	sadd.s32 s9, s12;
	[sflag:s10] =	ssyncset.done $0x0  }
0x27: {  	s16 =	sadd.s32 s28, s13;
	s13 =	simm.s32 $0x3;
	[sflag:s10] =	ssyncadd.s32 $0xFFFFC800  }
0x28: {  	[hbm4b:s12+s2] =	stream.linear.scatter [tilespmem:s5], [sflag:$0x4], $0x3800, $0x38;
	[tilespmem:$0x7000] =	vst v63  }
0x29: {  	s14 =	smul.u32 $0xE000, s14;
	s31 =	sshrl.u32 s29, $0x1;
	_ =	swait.ge [sflag:s13], $0x3800  }
0x2a: {  	s15 =	sor.u32 s17, s26;
	s16 =	sshrl.u32 s16, $0x3;
	[sflag:s13] =	ssyncset.done $0x0  }
0x2b: {  	s14 =	sadd.s32 s14, s15;
	s11 =	sadd.s32 s11, s16;
	[sflag:s13] =	ssyncadd.s32 $0xFFFFC800  }
0x2c: {  	[tilespmem:s2], [sflag:$0x1] =	stream.linear.gather [hbm4b:s11+s2], $0x3800, $0x38;
	[tilespmem:$0x7000] =	vst v63  }
0x2d: {  	s30 =	sshrl.u32 s14, $0x3;
	s14 =	ssub.s32 s29, s31;
	_ =	swait.ge [sflag:s6], $0x3800  }
0x2e: {  	s7 =	sadd.s32 s9, s30;
	s14 =	smax.u32 s14, $0x1;
	[sflag:s6] =	ssyncset.done $0x0  }
0x2f: {  	s9 =	simm.s32 $0x4;
	p0 =	sne.s32 s14, $0x1;
	[sflag:s6] =	ssyncadd.s32 $0xFFFFC800  }
0x30: {  	[hbm4b:s7+s2] =	stream.linear.scatter [tilespmem:s2], [sflag:$0x3], $0x3800, $0x38;
	[tilespmem:$0x7000] =	vst v63  }
.Ltmp0:
0x31: {  	_ =	swait.ge [sflag:s9], $0x3800;
	(pc) =	sbr.rel @!p0 .LBB2_2-.Ltmp0, $4  }
0x32: {  	[sflag:s9] =	ssyncset.done $0x0  }
0x33: {  	[sflag:s9] =	ssyncadd.s32 $0xFFFFC800  }
0x34: {  	_ =	swait.ge [sflag:s13], $0x3800  }
0x35: {  	s14 =	sadd.s32 $0xFFFFFFFF, s14;
	[sflag:s13] =	ssyncset.done $0x0  }
.LBB2_1:
0x36: {  	p0 =	sne.s32 s14, $0x1;
	s14 =	sadd.s32 $0xFFFFFFFF, s14;
	[sflag:s13] =	ssyncadd.s32 $0xFFFFC800  }
0x37: {  	[tilespmem:s2], [sflag:$0x1] =	stream.linear.gather [hbm4b:s3+s2], $0x3800, $0x38;
	[tilespmem:$0x7000] =	vst v63  }
0x38: {  	_ = 	snop  }
0x39: {  	[tilespmem:s5], [sflag:$0x2] =	stream.linear.gather [hbm4b:s4+s2], $0x3800, $0x38;
	[tilespmem:$0x7000] =	vst v63  }
0x3a: {  	_ =	swait.ge [sflag:s6], $0x3800  }
0x3b: {  	[sflag:s6] =	ssyncset.done $0x0  }
0x3c: {  	[sflag:s6] =	ssyncadd.s32 $0xFFFFC800  }
0x3d: {  	[hbm4b:s8+s2] =	stream.linear.scatter [tilespmem:s2], [sflag:$0x3], $0x3800, $0x38;
	[tilespmem:$0x7000] =	vst v63  }
0x3e: {  	_ =	swait.ge [sflag:s10], $0x3800  }
0x3f: {  	[sflag:s10] =	ssyncset.done $0x0  }
0x40: {  	[sflag:s10] =	ssyncadd.s32 $0xFFFFC800  }
0x41: {  	[hbm4b:s12+s2] =	stream.linear.scatter [tilespmem:s5], [sflag:$0x4], $0x3800, $0x38;
	[tilespmem:$0x7000] =	vst v63  }
0x42: {  	_ =	swait.ge [sflag:s13], $0x3800  }
0x43: {  	[sflag:s13] =	ssyncset.done $0x0  }
0x44: {  	[sflag:s13] =	ssyncadd.s32 $0xFFFFC800  }
0x45: {  	[tilespmem:s2], [sflag:$0x1] =	stream.linear.gather [hbm4b:s11+s2], $0x3800, $0x38;
	[tilespmem:$0x7000] =	vst v63  }
0x46: {  	_ =	swait.ge [sflag:s6], $0x3800  }
0x47: {  	[sflag:s6] =	ssyncset.done $0x0  }
0x48: {  	[sflag:s6] =	ssyncadd.s32 $0xFFFFC800  }
0x49: {  	[hbm4b:s7+s2] =	stream.linear.scatter [tilespmem:s2], [sflag:$0x3], $0x3800, $0x38;
	[tilespmem:$0x7000] =	vst v63  }
.Ltmp1:
0x4a: {  	_ =	swait.ge [sflag:s9], $0x3800;
	(pc) =	sbr.rel @p0 .LBB2_1-.Ltmp1, $4  }
0x4b: {  	[sflag:s9] =	ssyncset.done $0x0  }
0x4c: {  	[sflag:s9] =	ssyncadd.s32 $0xFFFFC800  }
0x4d: {  	_ =	swait.ge [sflag:s13], $0x3800  }
0x4e: {  	[sflag:s13] =	ssyncset.done $0x0  }
.LBB2_2:
0x4f: {  	[sflag:s13] =	ssyncadd.s32 $0xFFFFC800  }
0x50: {  	_ =	sfence.sel $0x180000  }
0x51: {  	[bflag:$0x0] =	sbarrier.arrive $0xFFFF  }
0x52: {  	p0 =	sne.s32 s0, $0x0;
	_ =	strace $0x90000047  }
0x53: {  	s0 =	sadd.s32 @!p0 $0x100000, s1;
	[bflag:$0x2] =	sbarrier.arrive $0xFFFF  }
0x54: {  	[sflag:s0] =	ssyncadd.tile.s32 @!p0 $0x1;
	_ =	shalt  }
.Lfunc_end2:
_tile_overlayer_lowered:
.L_overlay_start_2:
0x55: {  	(tag) =	ssettag $0x2  }
0x56: {  	s0 =	rddreg [dreg:$0x0];
	s2 =	stileid.u32  }
0x57: {  	s1 =	rddreg [dreg:$0x1];
	p0 =	sne.s32 s2, $0x0  }
0x58: {  	s3 =	rddreg [dreg:$0x2];
	[bflag:$0x3] =	sbarrier.arrive $0xFFFF;
	s2 =	simm.s32 @!p0 $0x1C05  }
0x59: {  	[timem:s3], [sflag:s2] =	dma.local @!p0 [hbm:s0], s1  }
0x5a: {  	s0 =	simm.s32 @!p0 $0x5  }
0x5b: {  	_ =	swait.ge @!p0 [sflag:s0], s1  }
0x5c: {  	s1 =	ssub.s32 @!p0 $0x0, s1;
	[sflag:s0] =	ssyncset.done @!p0 $0x0  }
0x5d: {  	[sflag:s0] =	ssyncadd.s32 @!p0 s1  }
0x5e: {  	[bflag:$0x3] =	sbarrier.arrive $0xFFFF  }
0x5f: {  	_ =	shalt  }

</sc_bundles>
